<compile_context>
chip_gen: v7x
topology: tpu7x:2x2x1
jax: 0.10.2.dev20260603
libtpu: 0.0.44.dev20260713+nightly
codegen_flags: <defaults>
</compile_context>

<pallas_src>
import jax
import jax.numpy as jnp
from jax import lax
from jax.experimental import pallas as pl
from jax.experimental.pallas import tpu as pltpu
from jax.experimental.pallas import tpu_sc as plsc

N_ATOMS = 100000
N_SPECIES = 16
NC, NS, L = 2, 16, 16
NW = NC * NS
CHUNK = 3120
LAST = N_ATOMS - (NW - 1) * CHUNK


def _take16(tab, idx):
    return tab.at[idx].get(mode="promise_in_bounds")


def _sc_body(sp_hbm, fac_hbm, scl_hbm, shf_hbm, oa_hbm, ob_hbm,
             sp_v, oa_v, ob_v, tabs_v, sem_sp, sem_t, sem_o):
    wid = lax.axis_index("s") * NC + lax.axis_index("c")
    base = wid * CHUNK

    cp_sp = pltpu.async_copy(sp_hbm.at[pl.ds(base, LAST)], sp_v, sem_sp)
    cp_f = pltpu.async_copy(fac_hbm, tabs_v.at[0], sem_t)
    cp_s = pltpu.async_copy(scl_hbm, tabs_v.at[1], sem_t)
    cp_h = pltpu.async_copy(shf_hbm, tabs_v.at[2], sem_t)

    cp_f.wait()
    cp_s.wait()
    cp_h.wait()
    f = tabs_v[0, :]
    a = f * tabs_v[1, :]
    b = f * tabs_v[2, :]
    cp_sp.wait()

    @plsc.parallel_loop(0, LAST, step=L, unroll=4)
    def _(i):
        sp = sp_v[pl.ds(i, L)]
        oa_v[pl.ds(i, L)] = _take16(a, sp)
        ob_v[pl.ds(i, L)] = _take16(b, sp)

    cp_oa = pltpu.async_copy(oa_v, oa_hbm.at[pl.ds(base, LAST)], sem_o)
    cp_ob = pltpu.async_copy(ob_v, ob_hbm.at[pl.ds(base, LAST)], sem_o)
    cp_oa.wait()
    cp_ob.wait()


_sc_call = pl.kernel(
    _sc_body,
    out_type=(jax.ShapeDtypeStruct((N_ATOMS,), jnp.float32),
              jax.ShapeDtypeStruct((N_ATOMS,), jnp.float32)),
    mesh=plsc.VectorSubcoreMesh(
        core_axis_name="c", subcore_axis_name="s",
        num_cores=NC, num_subcores=NS),
    compiler_params=pltpu.CompilerParams(needs_layout_passes=False),
    scratch_types=[
        pltpu.VMEM((LAST,), jnp.int32),
        pltpu.VMEM((LAST,), jnp.float32),
        pltpu.VMEM((LAST,), jnp.float32),
        pltpu.VMEM((3, L), jnp.float32),
        pltpu.SemaphoreType.DMA,
        pltpu.SemaphoreType.DMA,
        pltpu.SemaphoreType.DMA,
    ],
)


@jax.jit
def kernel(x, species, factors, scale_params, shift_params):
    a_s, b_s = _sc_call(species, factors, scale_params, shift_params)
    return a_s[:, None] * x + b_s[:, None]

# --- scband reference (transcript-rebuilt; emitter-appended) ---
"""Pipeline reference for scband-atomic-scale-shift-87960930222857 (READ-ONLY COPY).

The authoritative reference and input builder live on the scoring server;
editing this copy changes nothing except your own understanding.
"""

import jax, jax.numpy as jnp
import numpy as np

N_ATOMS = 100000
N_SPECIES = 16
SHIFT = np.array([-13.6, -75.1, -54.6, -37.8, -24.7, -99.3, -66.2, -45.9, -31.1, -88.4, -52.7, -19.8, -70.3, -41.2, -60.5, -28.9], dtype=np.float32)
SCALE = np.array([1.0, 0.9, 1.1, 1.05, 0.95, 1.2, 0.85, 1.0, 1.15, 0.9, 1.0, 1.1, 0.95, 1.05, 0.8, 1.25], dtype=np.float32)


def setup_inputs(seed: int = 0) -> dict:
    key = jax.random.key(seed)
    k1, k2 = jax.random.split(key)
    x = jax.random.normal(k1, (N_ATOMS, 1), dtype=jnp.float32)
    species = jax.random.randint(k2, (N_ATOMS,), 0, N_SPECIES, dtype=jnp.int32)
    factors = jnp.asarray(SCALE)  # registered buffer (requires_grad=False in torch)
    scale_params = jnp.ones((N_SPECIES,), dtype=jnp.float32)  # learnable, init to ones
    shift_params = jnp.asarray(SHIFT) / factors  # learnable, init shift/factors
    return {"x": x, "species": species, "factors": factors, "scale_params": scale_params, "shift_params": shift_params}


def reference(x, species, factors, scale_params, shift_params):
    # index_select(0, species) -> gather rows by species index
    factors_species = jnp.take(factors, species, axis=0)
    scale_species = jnp.take(scale_params, species, axis=0)
    shift_species = jnp.take(shift_params, species, axis=0)
    return factors_species[:, None] * (scale_species[:, None] * x + shift_species[:, None])

if __name__ == "__main__":
    import jax
    _d = setup_inputs()
    print(jax.jit(kernel)(*tuple(_d.values())))

</pallas_src>

<mosaic_0001>
#map = affine_map<(d0, d1) -> (0)>
module attributes {stable_mosaic.version = 14 : i64} {
  func.func @_sc_body(%arg0: i32, %arg1: i32, %arg2: memref<100000xi32, #tpu.memory_space<hbm>>, %arg3: memref<16xf32, #tpu.memory_space<hbm>>, %arg4: memref<16xf32, #tpu.memory_space<hbm>>, %arg5: memref<16xf32, #tpu.memory_space<hbm>>, %arg6: memref<100000xf32, #tpu.memory_space<hbm>>, %arg7: memref<100000xf32, #tpu.memory_space<hbm>>, %arg8: memref<3280xi32, #tpu.memory_space<vmem>>, %arg9: memref<3280xf32, #tpu.memory_space<vmem>>, %arg10: memref<3280xf32, #tpu.memory_space<vmem>>, %arg11: memref<3x16xf32, #tpu.memory_space<vmem>>, %arg12: memref<!tpu.dma_semaphore, #tpu.memory_space<semaphore_mem>>, %arg13: memref<!tpu.dma_semaphore, #tpu.memory_space<semaphore_mem>>, %arg14: memref<!tpu.dma_semaphore, #tpu.memory_space<semaphore_mem>>) attributes {dimension_semantics = [#tpu.dimension_semantics<core_parallel>, #tpu.dimension_semantics<subcore_parallel>], iteration_bounds = array<i64: 2, 16>, scalar_prefetch = 0 : i64, scratch_operands = 7 : i64, tpu.core_type = #tpu.core_type<sc_vector_subcore>, window_params = [{transform_indices = #map}, {transform_indices = #map}, {transform_indices = #map}, {transform_indices = #map}, {transform_indices = #map}, {transform_indices = #map}]} {
    %mul3A = arith.constant 2 : i32
    %mul3A_0 = arith.muli %arg1, %mul3A : i32
    %add3A = arith.addi %mul3A_0, %arg0 : i32
    %mul3A_1 = arith.constant 3120 : i32
    %mul3A_2 = arith.muli %add3A, %mul3A_1 : i32
    %dma_start3A = tpu.memref_slice %arg2[%mul3A_2] : memref<100000xi32, #tpu.memory_space<hbm>> -> memref<3280xi32, #tpu.memory_space<hbm>>
    %dma_start3A_3 = tpu.memref_slice %arg2[%mul3A_2] : memref<100000xi32, #tpu.memory_space<hbm>> -> memref<3280xi32, #tpu.memory_space<hbm>>
    tpu.enqueue_dma source(%dma_start3A_3 : memref<3280xi32, #tpu.memory_space<hbm>>) target(%arg8 : memref<3280xi32, #tpu.memory_space<vmem>>) target_semaphore(%arg12 : memref<!tpu.dma_semaphore, #tpu.memory_space<semaphore_mem>>)
    %dma_start3A_4 = arith.constant 0 : i32
    %dma_start3A_5 = arith.constant 0 : i32
    %dma_start3A_6 = tpu.memref_slice %arg11[%dma_start3A_4, %dma_start3A_5] : memref<3x16xf32, #tpu.memory_space<vmem>> -> memref<1x16xf32, #tpu.memory_space<vmem>>
    %dma_start3A_7 = tpu.memref_squeeze %dma_start3A_6 : memref<1x16xf32, #tpu.memory_space<vmem>> -> memref<16xf32, #tpu.memory_space<vmem>>
    %dma_start3A_8 = arith.constant 0 : i32
    %dma_start3A_9 = tpu.memref_slice %arg11[%dma_start3A_4, %dma_start3A_8] : memref<3x16xf32, #tpu.memory_space<vmem>> -> memref<1x16xf32, #tpu.memory_space<vmem>>
    %dma_start3A_10 = tpu.memref_squeeze %dma_start3A_9 : memref<1x16xf32, #tpu.memory_space<vmem>> -> memref<16xf32, #tpu.memory_space<vmem>>
    tpu.enqueue_dma source(%arg3 : memref<16xf32, #tpu.memory_space<hbm>>) target(%dma_start3A_10 : memref<16xf32, #tpu.memory_space<vmem>>) target_semaphore(%arg13 : memref<!tpu.dma_semaphore, #tpu.memory_space<semaphore_mem>>)
    %dma_start3A_11 = arith.constant 1 : i32
    %dma_start3A_12 = arith.constant 0 : i32
    %dma_start3A_13 = tpu.memref_slice %arg11[%dma_start3A_11, %dma_start3A_12] : memref<3x16xf32, #tpu.memory_space<vmem>> -> memref<1x16xf32, #tpu.memory_space<vmem>>
    %dma_start3A_14 = tpu.memref_squeeze %dma_start3A_13 : memref<1x16xf32, #tpu.memory_space<vmem>> -> memref<16xf32, #tpu.memory_space<vmem>>
    %dma_start3A_15 = arith.constant 0 : i32
    %dma_start3A_16 = tpu.memref_slice %arg11[%dma_start3A_11, %dma_start3A_15] : memref<3x16xf32, #tpu.memory_space<vmem>> -> memref<1x16xf32, #tpu.memory_space<vmem>>
    %dma_start3A_17 = tpu.memref_squeeze %dma_start3A_16 : memref<1x16xf32, #tpu.memory_space<vmem>> -> memref<16xf32, #tpu.memory_space<vmem>>
    tpu.enqueue_dma source(%arg4 : memref<16xf32, #tpu.memory_space<hbm>>) target(%dma_start3A_17 : memref<16xf32, #tpu.memory_space<vmem>>) target_semaphore(%arg13 : memref<!tpu.dma_semaphore, #tpu.memory_space<semaphore_mem>>)
    %dma_start3A_18 = arith.constant 2 : i32
    %dma_start3A_19 = arith.constant 0 : i32
    %dma_start3A_20 = tpu.memref_slice %arg11[%dma_start3A_18, %dma_start3A_19] : memref<3x16xf32, #tpu.memory_space<vmem>> -> memref<1x16xf32, #tpu.memory_space<vmem>>
    %dma_start3A_21 = tpu.memref_squeeze %dma_start3A_20 : memref<1x16xf32, #tpu.memory_space<vmem>> -> memref<16xf32, #tpu.memory_space<vmem>>
    %dma_start3A_22 = arith.constant 0 : i32
    %dma_start3A_23 = tpu.memref_slice %arg11[%dma_start3A_18, %dma_start3A_22] : memref<3x16xf32, #tpu.memory_space<vmem>> -> memref<1x16xf32, #tpu.memory_space<vmem>>
    %dma_start3A_24 = tpu.memref_squeeze %dma_start3A_23 : memref<1x16xf32, #tpu.memory_space<vmem>> -> memref<16xf32, #tpu.memory_space<vmem>>
    tpu.enqueue_dma source(%arg5 : memref<16xf32, #tpu.memory_space<hbm>>) target(%dma_start3A_24 : memref<16xf32, #tpu.memory_space<vmem>>) target_semaphore(%arg13 : memref<!tpu.dma_semaphore, #tpu.memory_space<semaphore_mem>>)
    %dma_wait3A = arith.constant 0 : i32
    %dma_wait3A_25 = arith.constant 0 : i32
    %dma_wait3A_26 = tpu.memref_slice %arg11[%dma_wait3A, %dma_wait3A_25] : memref<3x16xf32, #tpu.memory_space<vmem>> -> memref<1x16xf32, #tpu.memory_space<vmem>>
    %dma_wait3A_27 = tpu.memref_squeeze %dma_wait3A_26 : memref<1x16xf32, #tpu.memory_space<vmem>> -> memref<16xf32, #tpu.memory_space<vmem>>
    %dma_wait3A_28 = arith.constant 0 : i32
    %dma_wait3A_29 = tpu.memref_slice %arg11[%dma_wait3A, %dma_wait3A_28] : memref<3x16xf32, #tpu.memory_space<vmem>> -> memref<1x16xf32, #tpu.memory_space<vmem>>
    %dma_wait3A_30 = tpu.memref_squeeze %dma_wait3A_29 : memref<1x16xf32, #tpu.memory_space<vmem>> -> memref<16xf32, #tpu.memory_space<vmem>>
    tpu.wait_dma2 semaphore(%arg13 : memref<!tpu.dma_semaphore, #tpu.memory_space<semaphore_mem>>) src(%arg3 : memref<16xf32, #tpu.memory_space<hbm>>) dst(%dma_wait3A_30 : memref<16xf32, #tpu.memory_space<vmem>>)
    %dma_wait3A_31 = arith.constant 1 : i32
    %dma_wait3A_32 = arith.constant 0 : i32
    %dma_wait3A_33 = tpu.memref_slice %arg11[%dma_wait3A_31, %dma_wait3A_32] : memref<3x16xf32, #tpu.memory_space<vmem>> -> memref<1x16xf32, #tpu.memory_space<vmem>>
    %dma_wait3A_34 = tpu.memref_squeeze %dma_wait3A_33 : memref<1x16xf32, #tpu.memory_space<vmem>> -> memref<16xf32, #tpu.memory_space<vmem>>
    %dma_wait3A_35 = arith.constant 0 : i32
    %dma_wait3A_36 = tpu.memref_slice %arg11[%dma_wait3A_31, %dma_wait3A_35] : memref<3x16xf32, #tpu.memory_space<vmem>> -> memref<1x16xf32, #tpu.memory_space<vmem>>
    %dma_wait3A_37 = tpu.memref_squeeze %dma_wait3A_36 : memref<1x16xf32, #tpu.memory_space<vmem>> -> memref<16xf32, #tpu.memory_space<vmem>>
    tpu.wait_dma2 semaphore(%arg13 : memref<!tpu.dma_semaphore, #tpu.memory_space<semaphore_mem>>) src(%arg4 : memref<16xf32, #tpu.memory_space<hbm>>) dst(%dma_wait3A_37 : memref<16xf32, #tpu.memory_space<vmem>>)
    %dma_wait3A_38 = arith.constant 2 : i32
    %dma_wait3A_39 = arith.constant 0 : i32
    %dma_wait3A_40 = tpu.memref_slice %arg11[%dma_wait3A_38, %dma_wait3A_39] : memref<3x16xf32, #tpu.memory_space<vmem>> -> memref<1x16xf32, #tpu.memory_space<vmem>>
    %dma_wait3A_41 = tpu.memref_squeeze %dma_wait3A_40 : memref<1x16xf32, #tpu.memory_space<vmem>> -> memref<16xf32, #tpu.memory_space<vmem>>
    %dma_wait3A_42 = arith.constant 0 : i32
    %dma_wait3A_43 = tpu.memref_slice %arg11[%dma_wait3A_38, %dma_wait3A_42] : memref<3x16xf32, #tpu.memory_space<vmem>> -> memref<1x16xf32, #tpu.memory_space<vmem>>
    %dma_wait3A_44 = tpu.memref_squeeze %dma_wait3A_43 : memref<1x16xf32, #tpu.memory_space<vmem>> -> memref<16xf32, #tpu.memory_space<vmem>>
    tpu.wait_dma2 semaphore(%arg13 : memref<!tpu.dma_semaphore, #tpu.memory_space<semaphore_mem>>) src(%arg5 : memref<16xf32, #tpu.memory_space<hbm>>) dst(%dma_wait3A_44 : memref<16xf32, #tpu.memory_space<vmem>>)
    %get3A = arith.constant 0 : i32
    %get3A_45 = arith.index_cast %get3A : i32 to index
    %get3A_46 = arith.constant 0 : index
    %get3A_47 = tpu.vector_load %arg11[%get3A_45, %get3A_46] {strides = array<i32>} : memref<3x16xf32, #tpu.memory_space<vmem>>, vector<16xf32>,
    %get3A_48 = arith.constant 1 : i32
    %get3A_49 = arith.index_cast %get3A_48 : i32 to index
    %get3A_50 = arith.constant 0 : index
    %get3A_51 = tpu.vector_load %arg11[%get3A_49, %get3A_50] {strides = array<i32>} : memref<3x16xf32, #tpu.memory_space<vmem>>, vector<16xf32>,
    %mul3A_52 = arith.mulf %get3A_47, %get3A_51 : vector<16xf32>
    %get3A_53 = arith.constant 2 : i32
    %get3A_54 = arith.index_cast %get3A_53 : i32 to index
    %get3A_55 = arith.constant 0 : index
    %get3A_56 = tpu.vector_load %arg11[%get3A_54, %get3A_55] {strides = array<i32>} : memref<3x16xf32, #tpu.memory_space<vmem>>, vector<16xf32>,
    %mul3A_57 = arith.mulf %get3A_47, %get3A_56 : vector<16xf32>
    %dma_wait3A_58 = tpu.memref_slice %arg2[%mul3A_2] : memref<100000xi32, #tpu.memory_space<hbm>> -> memref<3280xi32, #tpu.memory_space<hbm>>
    %dma_wait3A_59 = tpu.memref_slice %arg2[%mul3A_2] : memref<100000xi32, #tpu.memory_space<hbm>> -> memref<3280xi32, #tpu.memory_space<hbm>>
    tpu.wait_dma2 semaphore(%arg12 : memref<!tpu.dma_semaphore, #tpu.memory_space<semaphore_mem>>) src(%dma_wait3A_59 : memref<3280xi32, #tpu.memory_space<hbm>>) dst(%arg8 : memref<3280xi32, #tpu.memory_space<vmem>>)
    %parallel_loop3A = arith.constant 0 : i32
    %parallel_loop3A_60 = arith.constant 3280 : i32
    %parallel_loop3A_61 = arith.constant 16 : i32
    scf.for %parallel_loop3A_70 = %parallel_loop3A to %parallel_loop3A_60 step %parallel_loop3A_61  : i32 {
      %parallel_loop3A_71 = arith.index_cast %parallel_loop3A_70 : i32 to index
      %parallel_loop3A_72 = tpu.vector_load %arg8[%parallel_loop3A_71] {strides = array<i32>} : memref<3280xi32, #tpu.memory_space<vmem>>, vector<16xi32>,
      %parallel_loop3A_73 = arith.constant 0 : i32
      %parallel_loop3A_74 = vector.broadcast %parallel_loop3A_73 : i32 to vector<16xi32>
      %parallel_loop3A_75 = arith.cmpi slt, %parallel_loop3A_72, %parallel_loop3A_74 : vector<16xi32>
      %parallel_loop3A_76 = arith.constant 16 : i32
      %parallel_loop3A_77 = vector.broadcast %parallel_loop3A_76 : i32 to vector<16xi32>
      %parallel_loop3A_78 = arith.addi %parallel_loop3A_72, %parallel_loop3A_77 : vector<16xi32>
      %parallel_loop3A_79 = arith.select %parallel_loop3A_75, %parallel_loop3A_78, %parallel_loop3A_72 : vector<16xi1>, vector<16xi32>
      %parallel_loop3A_80 = vector.shape_cast %parallel_loop3A_79 : vector<16xi32> to vector<16x1xi32>
      %parallel_loop3A_81 = vector.shape_cast %parallel_loop3A_80 : vector<16x1xi32> to vector<16xi32>
      %parallel_loop3A_82 = tpu.dynamic_gather %mul3A_52[%parallel_loop3A_81] in [0] : vector<16xf32>, vector<16xi32> -> vector<16xf32>
      %parallel_loop3A_83 = arith.index_cast %parallel_loop3A_70 : i32 to index
      %parallel_loop3A_84 = tpu.vector_load %arg9[%parallel_loop3A_83] {strides = array<i32>} : memref<3280xf32, #tpu.memory_space<vmem>>, vector<16xf32>,
      tpu.vector_store %arg9[%parallel_loop3A_83], %parallel_loop3A_82 {strides = array<i32>} : memref<3280xf32, #tpu.memory_space<vmem>>, vector<16xf32>,
      %parallel_loop3A_85 = arith.constant 0 : i32
      %parallel_loop3A_86 = vector.broadcast %parallel_loop3A_85 : i32 to vector<16xi32>
      %parallel_loop3A_87 = arith.cmpi slt, %parallel_loop3A_72, %parallel_loop3A_86 : vector<16xi32>
      %parallel_loop3A_88 = arith.constant 16 : i32
      %parallel_loop3A_89 = vector.broadcast %parallel_loop3A_88 : i32 to vector<16xi32>
      %parallel_loop3A_90 = arith.addi %parallel_loop3A_72, %parallel_loop3A_89 : vector<16xi32>
      %parallel_loop3A_91 = arith.select %parallel_loop3A_87, %parallel_loop3A_90, %parallel_loop3A_72 : vector<16xi1>, vector<16xi32>
      %parallel_loop3A_92 = vector.shape_cast %parallel_loop3A_91 : vector<16xi32> to vector<16x1xi32>
      %parallel_loop3A_93 = vector.shape_cast %parallel_loop3A_92 : vector<16x1xi32> to vector<16xi32>
      %parallel_loop3A_94 = tpu.dynamic_gather %mul3A_57[%parallel_loop3A_93] in [0] : vector<16xf32>, vector<16xi32> -> vector<16xf32>
      %parallel_loop3A_95 = arith.index_cast %parallel_loop3A_70 : i32 to index
      %parallel_loop3A_96 = tpu.vector_load %arg10[%parallel_loop3A_95] {strides = array<i32>} : memref<3280xf32, #tpu.memory_space<vmem>>, vector<16xf32>,
      tpu.vector_store %arg10[%parallel_loop3A_95], %parallel_loop3A_94 {strides = array<i32>} : memref<3280xf32, #tpu.memory_space<vmem>>, vector<16xf32>,
    } {sc.loop_unroll_factor = 4 : i64, sc.parallel_access}
    %dma_start3A_62 = tpu.memref_slice %arg6[%mul3A_2] : memref<100000xf32, #tpu.memory_space<hbm>> -> memref<3280xf32, #tpu.memory_space<hbm>>
    %dma_start3A_63 = tpu.memref_slice %arg6[%mul3A_2] : memref<100000xf32, #tpu.memory_space<hbm>> -> memref<3280xf32, #tpu.memory_space<hbm>>
    tpu.enqueue_dma source(%arg9 : memref<3280xf32, #tpu.memory_space<vmem>>) target(%dma_start3A_63 : memref<3280xf32, #tpu.memory_space<hbm>>) target_semaphore(%arg14 : memref<!tpu.dma_semaphore, #tpu.memory_space<semaphore_mem>>)
    %dma_start3A_64 = tpu.memref_slice %arg7[%mul3A_2] : memref<100000xf32, #tpu.memory_space<hbm>> -> memref<3280xf32, #tpu.memory_space<hbm>>
    %dma_start3A_65 = tpu.memref_slice %arg7[%mul3A_2] : memref<100000xf32, #tpu.memory_space<hbm>> -> memref<3280xf32, #tpu.memory_space<hbm>>
    tpu.enqueue_dma source(%arg10 : memref<3280xf32, #tpu.memory_space<vmem>>) target(%dma_start3A_65 : memref<3280xf32, #tpu.memory_space<hbm>>) target_semaphore(%arg14 : memref<!tpu.dma_semaphore, #tpu.memory_space<semaphore_mem>>)
    %dma_wait3A_66 = tpu.memref_slice %arg6[%mul3A_2] : memref<100000xf32, #tpu.memory_space<hbm>> -> memref<3280xf32, #tpu.memory_space<hbm>>
    %dma_wait3A_67 = tpu.memref_slice %arg6[%mul3A_2] : memref<100000xf32, #tpu.memory_space<hbm>> -> memref<3280xf32, #tpu.memory_space<hbm>>
    tpu.wait_dma2 semaphore(%arg14 : memref<!tpu.dma_semaphore, #tpu.memory_space<semaphore_mem>>) src(%arg9 : memref<3280xf32, #tpu.memory_space<vmem>>) dst(%dma_wait3A_67 : memref<3280xf32, #tpu.memory_space<hbm>>)
    %dma_wait3A_68 = tpu.memref_slice %arg7[%mul3A_2] : memref<100000xf32, #tpu.memory_space<hbm>> -> memref<3280xf32, #tpu.memory_space<hbm>>
    %dma_wait3A_69 = tpu.memref_slice %arg7[%mul3A_2] : memref<100000xf32, #tpu.memory_space<hbm>> -> memref<3280xf32, #tpu.memory_space<hbm>>
    tpu.wait_dma2 semaphore(%arg14 : memref<!tpu.dma_semaphore, #tpu.memory_space<semaphore_mem>>) src(%arg10 : memref<3280xf32, #tpu.memory_space<vmem>>) dst(%dma_wait3A_69 : memref<3280xf32, #tpu.memory_space<hbm>>)
    return
  }
}

</mosaic_0001>

<sc_bundles>
// kernel: kernel.3.cloned.1.call-start
scs
__scs_entry_jumppad:
0x0: {  	(pc) =	sbr.rel $0x88, $3  }
0x1: {  	(tag) =	ssettag $0x0;
	lr =	simm.s32 $0x1  }
0x2: {  	[smem:$0x3F9C] =	sst lr;
	_ =	strace $0xD0000000  }
0x3: {  	_ = 	snop  }
0x4: {  	_ = 	snop  }
0x5: {  	_ = 	snop  }
0x6: {  	_ = 	snop  }
0x7: {  	_ = 	snop  }
__scs_overlays_trampoline_lowered:
0x8: {  	[smem:$0x3FAB] =	sst s0  }
0x9: {  	[smem:$0x3FAC] =	sst s1  }
0xa: {  	[smem:$0x3FAD] =	sst s2  }
0xb: {  	[smem:$0x3FAE] =	sst s3  }
0xc: {  	[smem:$0x3FAF] =	sst s4  }
0xd: {  	[smem:$0x3FB0] =	sst s5  }
0xe: {  	[smem:$0x3FB1] =	sst s6  }
0xf: {  	[smem:$0x3FB2] =	sst s7  }
0x10: {  	[smem:$0x3FB3] =	sst s8  }
0x11: {  	[smem:$0x3FB4] =	sst s9;
	s0 =	simm.s32 @!p0 $0x0  }
0x12: {  	s1 =	sld [smem:$0x3F9A];
	s0 =	simm.s32 @p0 $0x1  }
0x13: {  	[smem:$0x3FB5] =	sst s0;
	s0 =	simm.s32 @!p1 $0x0  }
0x14: {  	s2 =	sld [smem:$0x3F99];
	s0 =	simm.s32 @p1 $0x1  }
0x15: {  	[smem:$0x3FB6] =	sst s0;
	s0 =	simm.s32 @!p2 $0x0  }
0x16: {  	s3 =	sld [smem:$0x3FDB];
	s0 =	simm.s32 @p2 $0x1  }
0x17: {  	s4 =	simm.s32 $0x1BF5;
	[smem:$0x3FB8] =	sst s0  }
0x18: {  	s0 =	sld [smem:$0x3F9B];
	_ =	swait.ge [sflag:s4], $0x0  }
0x19: {  	s7 =	sld [smem:$0x3F9C]  }
0x1a: {  	s8 =	sadd.s32 $0xFFFFE003, lr  }
0x1b: {  	s9 =	sadd.s32 $0xFFFFFEF7, lr;
	s5 =	simm.s32 $0xFFFFFFFF;
	p2 =	slt.u32 s8, $0xFFFFF086  }
0x1c: {  	p1 =	slt.u32 s9, $0xF7A;
	s5 =	simm.s32 @!p2 $0x0  }
0x1d: {  	s5 =	simm.s32 @p1 $0x1;
	p0 =	seq.s32 s7, s2  }
0x1e: {  	s7 =	smul.u32 @!p0 $0xF7A, s2;
	p2 =	seq.s32 @!p0 s5, $0x0  }
0x1f: {  	s9 =	smul.u32 $0xF7A, s1;
	s8 =	simm.s32 @!p0 $0x1BF5;
	p2 =	por !p2, p0  }
0x20: {  	[sflag:s8] =	ssyncset.s32 @!p0 $0xFFFFF086;
	s6 =	sadd.s32 @!p0 s3, s7;
	s7 =	simm.s32 @!p0 $0x108  }
0x21: {  	s3 =	sadd.s32 s3, s9;
	s6 =	sadd.s32 @!p0 $0x88, s6;
	s7 =	simm.s32 @p2 $0x1082  }
0x22: {  	[simem:s7], [sflag:s8] =	dma.local @!p0 [hbm:s6], $0xF7A  }
0x23: {  	s9 =	sor.u32 $0xD0000000, s2;
	s6 =	simm.s32 $0x108;
	_ =	swait.ge @!p0 [sflag:s8], $0x0  }
0x24: {  	s3 =	sadd.s32 $0x88, s3;
	s6 =	simm.s32 @!p1 $0x1082;
	[sflag:s4] =	ssyncset.s32 $0xFFFFF086  }
0x25: {  	[simem:s6], [sflag:s4] =	dma.local [hbm:s3], $0xF7A  }
0x26: {  	[smem:$0x3F9C] =	sst s1;
	(tag) =	ssettag s2;
	_ =	strace s9  }
0x27: {  	s1 =	sld [smem:$0x3FAC]  }
0x28: {  	s2 =	sld [smem:$0x3FAD]  }
0x29: {  	s4 =	sld [smem:$0x3FAF]  }
0x2a: {  	p0 =	seq.s32 s5, $0x0;
	s5 =	sld [smem:$0x3FB0]  }
0x2b: {  	s6 =	sld [smem:$0x3FB1]  }
0x2c: {  	s7 =	sld [smem:$0x3FB2]  }
0x2d: {  	s3 =	simm.s32 $0x108;
	s8 =	sld [smem:$0x3FB3]  }
0x2e: {  	s3 =	simm.s32 @!p0 $0x1082;
	s9 =	sld [smem:$0x3FB4]  }
0x2f: {  	lr =	sadd.s32 s0, s3;
	s0 =	sld [smem:$0x3FAB]  }
0x30: {  	s3 =	sld [smem:$0x3FAE]  }
0x31: {  	[smem:$0x3FB7] =	sst s10  }
0x32: {  	s10 =	sld [smem:$0x3FB5];
	_ =	sdelay $0x3  }
0x33: {  	p0 =	seq.s32 s10, $0x1;
	s10 =	sld [smem:$0x3FB7];
	_ =	sdelay $0x3  }
0x34: {  	[smem:$0x3FB7] =	sst s10  }
0x35: {  	s10 =	sld [smem:$0x3FB6];
	_ =	sdelay $0x3  }
0x36: {  	p1 =	seq.s32 s10, $0x1;
	s10 =	sld [smem:$0x3FB7];
	_ =	sdelay $0x3  }
0x37: {  	[smem:$0x3FB7] =	sst s10  }
0x38: {  	s10 =	sld [smem:$0x3FB8]  }
0x39: {  	_ = 	snop;
	(pc) =	sbr.ind lr, $3  }
0x3a: {  	_ = 	snop  }
0x3b: {  	_ = 	snop  }
0x3c: {  	p2 =	seq.s32 s10, $0x1;
	s10 =	sld [smem:$0x3FB7]  }
0x3d: {  	_ =	shalt  }
0x3e: {  	_ =	shalt  }
0x3f: {  	_ =	shalt  }
0x40: {  	_ =	shalt  }
0x41: {  	_ =	shalt  }
0x42: {  	_ =	shalt  }
0x43: {  	_ =	shalt  }
0x44: {  	_ =	shalt  }
0x45: {  	_ =	shalt  }
0x46: {  	_ =	shalt  }
0x47: {  	_ =	shalt  }
0x48: {  	_ =	shalt  }
0x49: {  	_ =	shalt  }
0x4a: {  	_ =	shalt  }
0x4b: {  	_ =	shalt  }
0x4c: {  	_ =	shalt  }
0x4d: {  	_ =	shalt  }
0x4e: {  	_ =	shalt  }
0x4f: {  	_ =	shalt  }
0x50: {  	_ =	shalt  }
0x51: {  	_ =	shalt  }
0x52: {  	_ =	shalt  }
0x53: {  	_ =	shalt  }
0x54: {  	_ =	shalt  }
0x55: {  	_ =	shalt  }
0x56: {  	_ =	shalt  }
0x57: {  	_ =	shalt  }
0x58: {  	_ =	shalt  }
0x59: {  	_ =	shalt  }
0x5a: {  	_ =	shalt  }
0x5b: {  	_ =	shalt  }
0x5c: {  	_ =	shalt  }
0x5d: {  	_ =	shalt  }
0x5e: {  	_ =	shalt  }
0x5f: {  	_ =	shalt  }
0x60: {  	_ =	shalt  }
0x61: {  	_ =	shalt  }
0x62: {  	_ =	shalt  }
0x63: {  	_ =	shalt  }
0x64: {  	_ =	shalt  }
0x65: {  	_ =	shalt  }
0x66: {  	_ =	shalt  }
0x67: {  	_ =	shalt  }
0x68: {  	_ =	shalt  }
0x69: {  	_ =	shalt  }
0x6a: {  	_ =	shalt  }
0x6b: {  	_ =	shalt  }
0x6c: {  	_ =	shalt  }
0x6d: {  	_ =	shalt  }
0x6e: {  	_ =	shalt  }
0x6f: {  	_ =	shalt  }
0x70: {  	_ =	shalt  }
0x71: {  	_ =	shalt  }
0x72: {  	_ =	shalt  }
0x73: {  	_ =	shalt  }
0x74: {  	_ =	shalt  }
0x75: {  	_ =	shalt  }
0x76: {  	_ =	shalt  }
0x77: {  	_ =	shalt  }
0x78: {  	_ =	shalt  }
0x79: {  	_ =	shalt  }
0x7a: {  	_ =	shalt  }
0x7b: {  	_ =	shalt  }
0x7c: {  	_ =	shalt  }
0x7d: {  	_ =	shalt  }
0x7e: {  	_ =	shalt  }
0x7f: {  	_ =	shalt  }
0x80: {  	_ =	shalt  }
0x81: {  	_ =	shalt  }
0x82: {  	_ =	shalt  }
0x83: {  	_ =	shalt  }
0x84: {  	_ =	shalt  }
0x85: {  	_ =	shalt  }
0x86: {  	_ =	shalt  }
0x87: {  	_ =	shalt  }
.Lfunc_end0:
.L_simem_size_0:
called_computation_lowered:
.L_overlay_start_0:
0x88: {  	s2 =	sld [smem:$0x3FD9]  }
0x89: {  	s3 =	sld [smem:$0x3FFE];
	_ =	sdelay $0x1  }
0x8a: {  	s1 =	srdreg.scid  }
0x8b: {  	s0 =	sand.u32 $0x1, s1  }
0x8c: {  	s17 =	sshll.u32 s0, $0xA;
	s2 =	sadd.s32 s3, s2  }
0x8d: {  	s2 =	sadd.s32 s2, s17  }
0x8e: {  	[smem:$0x3FC3] =	sst s2  }
0x8f: {  	_ = 	snop  }
0x90: {  	s2 =	sld [smem:$0x3FC8]  }
0x91: {  	s18 =	sld [smem:$0x3FC7]  }
0x92: {  	s4 =	sld [smem:$0x3FC6]  }
0x93: {  	s5 =	sld [smem:$0x3FC5];
	(tm) =	ssettm $0x1  }
0x94: {  	s6 =	sld [smem:$0x3FFB];
	_ =	sdelay $0x3  }
0x95: {  	_ =	strace s6  }
0x96: {  	s6 =	sld [smem:$0x3FFC];
	_ =	sdelay $0x3  }
0x97: {  	_ =	strace s6  }
0x98: {  	s6 =	sld [smem:$0x3FFD];
	_ =	sdelay $0x3  }
0x99: {  	_ =	strace s6  }
0x9a: {  	_ =	strace $0x8FFFFFFF  }
0x9b: {  	s19 =	sld [smem:$0x3FDB];
	_ =	sdelay $0x1  }
0x9c: {  	s7 =	simm.s32 $_scs_section_size  }
0x9d: {  	s8 =	simm.s32 $_size__tile_overlayer_lowered;
	s9 =	simm.s32 $_tile_overlayer_lowered  }
0x9e: {  	s22 =	simm.s32 $0x1BFF;
	s21 =	sshll.u32 s9, $0x1;
	s6 =	sadd.s32 s7, s19  }
0x9f: {  	s10 =	simm.s32 $0x0;
	s20 =	sshll.u32 s8, $0x1;
	s8 =	sadd.s32 s21, s6  }
0xa0: {  	[timem:s10], [sflag:s22] =	dma.local [hbm:s8], s20  }
0xa1: {  	_ =	swait.ge [sflag:s22], s20  }
0xa2: {  	s7 =	ssub.s32 $0x0, s20;
	[sflag:s22] =	ssyncset.done $0x0  }
0xa3: {  	[sflag:s22] =	ssyncadd.s32 s7;
	_ =	sdelay $0x1  }
0xa4: {  	s23 =	simm.s32 $0x1B8B  }
0xa5: {  	_ =	swait.ge [sflag:s23], $0x1  }
0xa6: {  	[sflag:s23] =	ssyncset.done $0x0  }
0xa7: {  	s25 =	simm.s32 $0x1B8E;
	s24 =	sld [smem:$0x3FFE];
	[sflag:s23] =	ssyncadd.s32 $0xFFFFFFFF  }
0xa8: {  	s26 =	simm.s32 $execute0_lowered;
	[smem:$0x3FD2] =	sst s25  }
0xa9: {  	s8 =	sshll.u32 s26, $0x1;
	_ =	strace $0x80000046;
	[dreg:$0x1] =	wrdreg $0xFFFFFFFF  }
0xaa: {  	s28 =	simm.s32 $_size_execute0_lowered;
	s6 =	sadd.s32 s6, s8;
	[dreg:$0x0] =	wrdreg $0x0  }
0xab: {  	s8 =	sshll.u32 s28, $0x1;
	[dreg:$0x2] =	wrdreg s6  }
0xac: {  	[dreg:$0x3] =	wrdreg s8  }
0xad: {  	[dreg:$0x4] =	wrdreg $0xC0  }
0xae: {  	_ =	task [dreg:s10], $0x5FFFF  }
0xaf: {  	[dreg:$0x1] =	wrdreg $0xFFFFFFFF  }
0xb0: {  	[dreg:$0x0] =	wrdreg $0x60  }
0xb1: {  	[dreg:$0x2] =	wrdreg s2  }
0xb2: {  	[dreg:$0x3] =	wrdreg s18  }
0xb3: {  	[dreg:$0x4] =	wrdreg s4  }
0xb4: {  	[dreg:$0x5] =	wrdreg s5  }
0xb5: {  	[dreg:$0x6] =	wrdreg s24  }
0xb6: {  	[dreg:$0x7] =	wrdreg $0x9  }
0xb7: {  	_ =	task.clear_ibuf [dreg:s10], $0x8FFFF;
	_ =	strace $0x90000046  }
0xb8: {  	s29 =	simm.s32 $0x9;
	_ =	strace $0x80000048  }
0xb9: {  	_ =	swait.ge [sflag:s29], $0x1  }
0xba: {  	[sflag:s29] =	ssyncadd.s32 $0xFFFFFFFF  }
0xbb: {  	_ =	strace $0x90000048  }
0xbc: {  	_ =	sfence  }
0xbd: {  	s30 =	sld [smem:$0x0];
	_ =	sdelay $0x2  }
0xbe: {  	s31 =	sshll.u32 s1, $0xD;
	s1 =	sshrl.u32 s1, $0x2  }
0xbf: {  	s3 =	sand.u32 $0x4000, s31;
	s1 =	sadd.s32 s1, s30  }
0xc0: {  	s0 =	sor.u32 s3, s0;
	s1 =	sshll.u32 s1, $0x11  }
0xc1: {  	s0 =	sor.u32 s1, s0  }
0xc2: {  	s0 =	sadd.s32 $0x8F2B, s0  }
0xc3: {  	[sflag:s0] =	ssyncadd.remote.s32 $0x1  }
0xc4: {  	_ =	sfence.sel $0xFFFF  }
0xc5: {  	[dreg:$0x0] =	wrdreg $0xFFFFFFFF;
	(pc) =	sbr.abs _section_cstart, $3  }
0xc6: {  	[dreg:$0x1] =	wrdreg $0xFFFFFFFF  }
0xc7: {  	_ =	task.clear_ibuf [dreg:s10], $0x2FFFF;
	_ =	strace $0x9FFFFFFF  }
0xc8: {  	(tm) =	ssettm $0x7FFFFFFF  }
0xc9: {  	_ =	shalt  }
tec
execute0_lowered:
.L_overlay_start_1:
0x0: {  	(tag) =	ssettag $0x1  }
0x1: {  	s6 =	rddreg [dreg:$0x0]  }
0x2: {  	s1 =	rddreg [dreg:$0x1]  }
0x3: {  	s2 =	rddreg [dreg:$0x2]  }
0x4: {  	s4 =	rddreg [dreg:$0x3];
	s3 =	srdreg.scid  }
0x5: {  	s0 =	stileid.u32;
	s7 =	rddreg [dreg:$0x4];
	s5 =	simm.s32 $0x0  }
0x6: {  	s12 =	simm.s32 $0x2800;
	s13 =	simm.s32 $0x2;
	s14 =	simm.s32 $0x1  }
0x7: {  	s15 =	simm.s32 $0xD00;
	s8 =	sand.u32 $0x1, s3;
	s9 =	sshll.u32 s0, $0x1  }
0x8: {  	s16 =	simm.s32 $0x1A00;
	s17 =	simm.s32 $0x3;
	s9 =	sor.u32 s8, s9  }
0x9: {  	s3 =	rddreg [dreg:$0x5];
	s8 =	ssub.s32 $0x2, s8;
	s9 =	smul.u32 $0x186, s9  }
0xa: {  	s18 =	simm.s32 $0x0;
	[smem:$0x7FF] =	sst s5;
	s10 =	sshrl.u32 s8, $0x1  }
0xb: {  	_ =	strace $0x80000047;
	s10 =	ssub.s32 s8, s10;
	s11 =	sadd.s32 s9, s7  }
0xc: {  	s6 =	sadd.s32 s6, s9;
	s9 =	smax.u32 s10, $0x1;
	s10 =	simm.s32 $0x2700  }
0xd: {  	s7 =	sadd.s32 $0xA00, s11;
	s8 =	sadd.s32 $0x3C00, s11;
	s11 =	simm.s32 $0x2780  }
.LBB2_1:
0xe: {  	[tilespmem:s5], [sflag:$0x1] =	stream.linear.gather [hbm4b:s6+s5], $0xCD0, $0x38;
	[tilespmem:$0x2900] =	vst v63  }
0xf: {  	_ = 	snop  }
0x10: {  	[tilespmem:s10], [sflag:$0x2] =	stream.linear.gather [hbm4b:s1+s5], $0x80, $0x38;
	[tilespmem:$0x2900] =	vst v63  }
0x11: {  	_ = 	snop  }
0x12: {  	[tilespmem:s11], [sflag:$0x2] =	stream.linear.gather [hbm4b:s2+s5], $0x80, $0x38;
	[tilespmem:$0x2900] =	vst v63  }
0x13: {  	_ = 	snop  }
0x14: {  	[tilespmem:s12], [sflag:$0x2] =	stream.linear.gather [hbm4b:s4+s5], $0x80, $0x38;
	[tilespmem:$0x2900] =	vst v63  }
0x15: {  	_ =	swait.ge [sflag:s13], $0x80  }
0x16: {  	[sflag:s13] =	ssyncset.done $0x0  }
0x17: {  	[sflag:s13] =	ssyncadd.s32 $0xFFFFFF80  }
0x18: {  	_ =	swait.ge [sflag:s13], $0x80  }
0x19: {  	[sflag:s13] =	ssyncset.done $0x0  }
0x1a: {  	[sflag:s13] =	ssyncadd.s32 $0xFFFFFF80  }
0x1b: {  	_ =	swait.ge [sflag:s13], $0x80  }
0x1c: {  	[sflag:s13] =	ssyncset.done $0x0  }
0x1d: {  	[sflag:s13] =	ssyncadd.s32 $0xFFFFFF80  }
0x1e: {  	v1 =	vld [tilespmem:$0x2700]  }
0x1f: {  	v0 =	vld [tilespmem:$0x2780]  }
0x20: {  	v2 =	vld [tilespmem:$0x2800];
	_ =	swait.ge [sflag:s14], $0xCD0  }
0x21: {  	[sflag:s14] =	ssyncset.done $0x0  }
0x22: {  	s19 =	simm.s32 $0x20;
	[sflag:s14] =	ssyncadd.s32 $0xFFFFF330  }
0x23: {  	v3 =	vld [tilespmem:s19+$0x10];
	_ =	sdelay $0x1  }
0x24: {  	v5 =	vld [tilespmem:s19+$0xFFFFFFE0]  }
0x25: {  	v4 =	vld [tilespmem:s19+$0xFFFFFFF0]  }
0x26: {  	v6 =	vld [tilespmem:s19+$0x0]  }
0x27: {  	s22 =	simm.s32 $0x60;
	v7 =	vshrl.u32 v3, $0x1B  }
0x28: {  	v9 =	vld [tilespmem:s22+$0x10];
	v0 =	vmul.f32 v0, v1;
	v7 =	vand.u32 $0x10, v7  }
0x29: {  	v1 =	vmul.f32 v2, v1;
	v8 =	vshrl.u32 v5, $0x1B;
	v7 =	vadd.s32 v3, v7  }
0x2a: {  	v2 =	vshrl.u32 v4, $0x1B;
	v8 =	vand.u32 $0x10, v8;
	v10 =	vperm.xlane v0, v7  }
0x2b: {  	s19 =	simm.s32 $0xD20;
	v11 =	vshrl.u32 v6, $0x1B;
	v2 =	vand.u32 $0x10, v2;
	v5 =	vadd.s32 v5, v8  }
0x2c: {  	v3 =	vld [tilespmem:s22+$0xFFFFFFF0];
	v4 =	vadd.s32 v4, v2;
	[tilespmem:s19+$0x10] =	vst v10;
	v10 =	vand.u32 $0x10, v11;
	v11 =	vperm.xlane v0, v5  }
0x2d: {  	v2 =	vld [tilespmem:s22+$0x0];
	v8 =	vperm.xlane v0, v4;
	v12 =	vperm.xlane v1, v4;
	v4 =	vshrl.u32 v9, $0x1B  }
0x2e: {  	v7 =	vperm.xlane v1, v7;
	[tilespmem:s19+$0xFFFFFFE0] =	vst v11;
	v11 =	vand.u32 $0x10, v4;
	v4 =	vld [tilespmem:s22+$0xFFFFFFE0]  }
0x2f: {  	s20 =	simm.s32 $0x1A20;
	[tilespmem:s19+$0xFFFFFFF0] =	vst v8  }
0x30: {  	[tilespmem:s20+$0x10] =	vst v7;
	v7 =	vadd.s32 v6, v10;
	v10 =	vperm.xlane v1, v5  }
0x31: {  	[tilespmem:s20+$0xFFFFFFF0] =	vst v12;
	v6 =	vperm.xlane v0, v7;
	v5 =	vperm.xlane v1, v7;
	v7 =	vshrl.u32 v3, $0x1B  }
0x32: {  	s21 =	simm.s32 $0x40;
	s22 =	simm.s32 $0xA0;
	[tilespmem:s20+$0xFFFFFFE0] =	vst v10;
	v8 =	vand.u32 $0x10, v7;
	v7 =	vshrl.u32 v2, $0x1B;
	v9 =	vadd.s32 v9, v11  }
.LBB2_2:
0x33: {  	v10 =	vld [tilespmem:s22+$0x10];
	v11 =	vshrl.u32 v4, $0x1B;
	v7 =	vand.u32 $0x10, v7;
	v12 =	vperm.xlane v0, v9;
	[tilespmem:s19+$0x0] =	vst v6  }
0x34: {  	s21 =	sadd.s32 $0x40, s21;
	v8 =	vadd.s32 v3, v8;
	v9 =	vperm.xlane v1, v9;
	s19 =	sadd.s32 $0x40, s19;
	v6 =	vand.u32 $0x10, v11;
	v3 =	vld [tilespmem:s22+$0xFFFFFFF0];
	[tilespmem:s20+$0x0] =	vst v5  }
0x35: {  	p0 =	slt.u32 s21, $0xC80;
	v7 =	vadd.s32 v2, v7;
	s20 =	sadd.s32 $0x40, s20;
	v5 =	vadd.s32 v4, v6;
	v6 =	vperm.xlane v0, v8;
	v2 =	vld [tilespmem:s22+$0x0];
	[tilespmem:s19+$0x10] =	vst v12  }
.Ltmp0:
0x36: {  	v4 =	vld [tilespmem:s22+$0xFFFFFFE0];
	v11 =	vperm.xlane v0, v5;
	v12 =	vperm.xlane v1, v5;
	[tilespmem:s20+$0x10] =	vst v9;
	(pc) =	sbr.rel @p0 .LBB2_2-.Ltmp0, $4  }
0x37: {  	v13 =	vperm.xlane v1, v8;
	[tilespmem:s19+$0xFFFFFFF0] =	vst v6;
	v6 =	vperm.xlane v0, v7  }
0x38: {  	v5 =	vperm.xlane v1, v7;
	v8 =	vshrl.u32 v10, $0x1B;
	[tilespmem:s19+$0xFFFFFFE0] =	vst v11  }
0x39: {  	v7 =	vshrl.u32 v3, $0x1B;
	v9 =	vand.u32 $0x10, v8;
	[tilespmem:s20+$0xFFFFFFE0] =	vst v12  }
0x3a: {  	s22 =	sadd.s32 $0x40, s22;
	v8 =	vand.u32 $0x10, v7;
	v7 =	vshrl.u32 v2, $0x1B;
	v9 =	vadd.s32 v10, v9;
	[tilespmem:s20+$0xFFFFFFF0] =	vst v13  }
0x3b: {  	v11 =	vperm.xlane v0, v9;
	[tilespmem:s19+$0x0] =	vst v6  }
0x3c: {  	v3 =	vadd.s32 v3, v8;
	v57 =	vperm.xlane v1, v9;
	s30 =	sadd.s32 $0x40, s19;
	[tilespmem:s20+$0x0] =	vst v5  }
0x3d: {  	v10 =	vshrl.u32 v4, $0x1B;
	s31 =	sadd.s32 $0x40, s20;
	v7 =	vand.u32 $0x10, v7;
	v59 =	vperm.xlane v0, v3;
	[tilespmem:s30+$0x10] =	vst v11  }
0x3e: {  	v56 =	vand.u32 $0x10, v10;
	v2 =	vadd.s32 v2, v7;
	v3 =	vperm.xlane v1, v3;
	[tilespmem:s31+$0x10] =	vst v57  }
0x3f: {  	v58 =	vadd.s32 v4, v56;
	v60 =	vperm.xlane v0, v2;
	[tilespmem:s30+$0xFFFFFFF0] =	vst v59  }
0x40: {  	v6 =	vperm.xlane v0, v58;
	[tilespmem:s31+$0xFFFFFFF0] =	vst v3  }
0x41: {  	v2 =	vperm.xlane v1, v2;
	[tilespmem:s30+$0x0] =	vst v60  }
0x42: {  	v4 =	vperm.xlane v1, v58;
	[tilespmem:s30+$0xFFFFFFE0] =	vst v6  }
0x43: {  	[tilespmem:s31+$0x0] =	vst v2  }
0x44: {  	[tilespmem:s31+$0xFFFFFFE0] =	vst v4  }
0x45: {  	v2 =	vld [tilespmem:$0xCC0];
	_ =	sdelay $0x4  }
0x46: {  	v61 =	vshrl.u32 v2, $0x1B  }
0x47: {  	v3 =	vand.u32 $0x10, v61  }
0x48: {  	v2 =	vadd.s32 v2, v3  }
0x49: {  	v62 =	vperm.xlane v0, v2  }
0x4a: {  	v63 =	vperm.xlane v1, v2  }
0x4b: {  	[tilespmem:$0x19C0] =	vst v62  }
0x4c: {  	[tilespmem:$0x26C0] =	vst v63  }
0x4d: {  	[hbm4b:s7+s5] =	stream.linear.scatter [tilespmem:s15], [sflag:$0x3], $0xCD0, $0x38;
	[tilespmem:$0x2900] =	vst v63  }
0x4e: {  	s18 =	sadd.s32 $0x1, s18  }
0x4f: {  	[hbm4b:s8+s5] =	stream.linear.scatter [tilespmem:s16], [sflag:$0x3], $0xCD0, $0x38;
	[tilespmem:$0x2900] =	vst v63  }
0x50: {  	p0 =	sne.s32 s18, s9;
	_ =	swait.ge [sflag:s17], $0xCD0  }
.Ltmp1:
0x51: {  	[sflag:s17] =	ssyncset.done $0x0;
	(pc) =	sbr.rel @p0 .LBB2_1-.Ltmp1, $4  }
0x52: {  	[sflag:s17] =	ssyncadd.s32 $0xFFFFF330  }
0x53: {  	_ =	swait.ge [sflag:s17], $0xCD0  }
0x54: {  	[sflag:s17] =	ssyncset.done $0x0  }
0x55: {  	[sflag:s17] =	ssyncadd.s32 $0xFFFFF330  }
0x56: {  	_ =	sfence.sel $0x180000  }
0x57: {  	[bflag:$0x0] =	sbarrier.arrive $0xFFFF  }
0x58: {  	p0 =	sne.s32 s0, $0x0;
	_ =	strace $0x90000047  }
0x59: {  	s0 =	sadd.s32 @!p0 $0x100000, s3;
	[bflag:$0x2] =	sbarrier.arrive $0xFFFF  }
0x5a: {  	[sflag:s0] =	ssyncadd.tile.s32 @!p0 $0x1;
	_ =	shalt  }
.Lfunc_end2:
_tile_overlayer_lowered:
.L_overlay_start_2:
0x5b: {  	(tag) =	ssettag $0x2  }
0x5c: {  	s0 =	rddreg [dreg:$0x0];
	s2 =	stileid.u32  }
0x5d: {  	s1 =	rddreg [dreg:$0x1];
	p0 =	sne.s32 s2, $0x0  }
0x5e: {  	s3 =	rddreg [dreg:$0x2];
	[bflag:$0x3] =	sbarrier.arrive $0xFFFF;
	s2 =	simm.s32 @!p0 $0x1C04  }
0x5f: {  	[timem:s3], [sflag:s2] =	dma.local @!p0 [hbm:s0], s1  }
0x60: {  	s0 =	simm.s32 @!p0 $0x4  }
0x61: {  	_ =	swait.ge @!p0 [sflag:s0], s1  }
0x62: {  	s1 =	ssub.s32 @!p0 $0x0, s1;
	[sflag:s0] =	ssyncset.done @!p0 $0x0  }
0x63: {  	[sflag:s0] =	ssyncadd.s32 @!p0 s1  }
0x64: {  	[bflag:$0x3] =	sbarrier.arrive $0xFFFF  }
0x65: {  	_ =	shalt  }

</sc_bundles>
